<compile_context>
chip_gen: v7x
topology: tpu7x:2x2x1
jax: 0.10.2.dev20260603
libtpu: 0.0.44.dev20260713+nightly
codegen_flags: <defaults>
</compile_context>

<pallas_src>
import functools

import jax
import jax.numpy as jnp
from jax import lax
from jax.experimental import pallas as pl
from jax.experimental.pallas import tpu as pltpu
from jax.experimental.pallas import tpu_sc as plsc

_D = 128
_B = 16384
_NC = 2
_NS = 16
_NW = _NC * _NS
_BPW = _B // _NW
_NCH = 4
_CH = _BPW // _NCH

_mesh = plsc.VectorSubcoreMesh(core_axis_name="c", subcore_axis_name="s")


@functools.partial(
    pl.kernel,
    mesh=_mesh,
    out_type=jax.ShapeDtypeStruct((1, _B, _D), jnp.float32),
    scratch_types=[
        pltpu.VMEM_SHARED((_NS, 2, _D), jnp.float32),
        pltpu.VMEM((_BPW,), jnp.int32),
        pltpu.VMEM((_BPW, _D), jnp.float32),
    ] + [pltpu.SemaphoreType.DMA] * (2 * _NCH + 3),
)
def _gather_kernel(pres_hbm, abs_hbm, idx_hbm, out_hbm,
                   table_s, flags_v, rows_v, sem_p, sem_a, sem_o, *ksem):
    cid = lax.axis_index("c")
    sid = lax.axis_index("s")
    wid = sid * _NC + cid
    base = wid * _BPW
    out2d = out_hbm.at[0]
    sem_f = ksem[0]
    gsem = list(ksem[1:])
    cp_p = pltpu.async_copy(pres_hbm, table_s.at[sid].at[0], sem_p)
    cp_a = pltpu.async_copy(abs_hbm, table_s.at[sid].at[1], sem_a)
    cp_f = pltpu.async_copy(idx_hbm.at[pl.ds(base, _BPW)], flags_v, sem_f)
    cp_p.wait()
    cp_a.wait()
    cp_f.wait()
    gaths = []
    for k in range(_NCH):
        gaths.append(pltpu.async_copy(
            table_s.at[sid].at[flags_v.at[pl.ds(k * _CH, _CH)]],
            rows_v.at[pl.ds(k * _CH, _CH)], gsem[k]))
    outs = []
    for k in range(_NCH):
        gaths[k].wait()
        outs.append(pltpu.async_copy(
            rows_v.at[pl.ds(k * _CH, _CH)],
            out2d.at[pl.ds(base + k * _CH, _CH)], sem_o))
    for o in outs:
        o.wait()


def kernel(is_absent, present_goal_vector, absent_goal_vector):
    idx = is_absent.astype(jnp.int32)
    return _gather_kernel(present_goal_vector, absent_goal_vector, idx)

# --- scband reference (transcript-rebuilt; emitter-appended) ---
"""Pipeline reference for scband-manager-basic-84937273246288 (READ-ONLY COPY).

The authoritative reference and input builder live on the scoring server;
editing this copy changes nothing except your own understanding.
"""

import jax, jax.numpy as jnp
import numpy as np

GOAL_VECTOR_SIZE = 128
BATCH = 16384

def setup_inputs(seed: int = 0) -> dict:
    key = jax.random.key(seed)
    k1, k2, k3 = jax.random.split(key, 3)
    is_absent = jax.random.randint(k1, (BATCH,), 0, 2)
    initrange = 0.1
    present_goal_vector = jax.random.uniform(k2, (GOAL_VECTOR_SIZE,), minval=-initrange, maxval=initrange, dtype=jnp.float32)
    absent_goal_vector = jax.random.uniform(k3, (GOAL_VECTOR_SIZE,), minval=-initrange, maxval=initrange, dtype=jnp.float32)
    return {"is_absent": is_absent, "present_goal_vector": present_goal_vector, "absent_goal_vector": absent_goal_vector}

def reference(is_absent, present_goal_vector, absent_goal_vector):
    # Faithful translation: per-batch-element, pick absent_goal_vector if flag==1 else present_goal_vector,
    # stack along batch dim and unsqueeze dim 0. Equivalent to a 2-row embedding gather.
    table = jnp.stack([present_goal_vector, absent_goal_vector], axis=0)  # [2, D]
    idx = (is_absent == 1).astype(jnp.int32)  # int(is_absent[i]) == 1 -> absent, else present
    g_t = jnp.take(table, idx, axis=0)  # [B, D]
    return g_t[None, :, :]  # [1, B, D]

if __name__ == "__main__":
    import jax
    _d = setup_inputs()
    print(jax.jit(kernel)(*tuple(_d.values())))

</pallas_src>

<mosaic_0001>
#map = affine_map<(d0, d1) -> (0)>
#map1 = affine_map<(d0, d1) -> (0, 0, 0)>
module attributes {stable_mosaic.version = 14 : i64} {
  func.func @_gather_kernel(%arg0: i32, %arg1: i32, %arg2: memref<128xf32, #tpu.memory_space<hbm>>, %arg3: memref<128xf32, #tpu.memory_space<hbm>>, %arg4: memref<16384xi32, #tpu.memory_space<hbm>>, %arg5: memref<1x16384x128xf32, #tpu.memory_space<hbm>>, %arg6: memref<16x2x128xf32, #tpu.memory_space<vmem_shared>>, %arg7: memref<512xi32, #tpu.memory_space<vmem>>, %arg8: memref<512x128xf32, #tpu.memory_space<vmem>>, %arg9: memref<!tpu.dma_semaphore, #tpu.memory_space<semaphore_mem>>, %arg10: memref<!tpu.dma_semaphore, #tpu.memory_space<semaphore_mem>>, %arg11: memref<!tpu.dma_semaphore, #tpu.memory_space<semaphore_mem>>, %arg12: memref<!tpu.dma_semaphore, #tpu.memory_space<semaphore_mem>>, %arg13: memref<!tpu.dma_semaphore, #tpu.memory_space<semaphore_mem>>, %arg14: memref<!tpu.dma_semaphore, #tpu.memory_space<semaphore_mem>>, %arg15: memref<!tpu.dma_semaphore, #tpu.memory_space<semaphore_mem>>, %arg16: memref<!tpu.dma_semaphore, #tpu.memory_space<semaphore_mem>>, %arg17: memref<!tpu.dma_semaphore, #tpu.memory_space<semaphore_mem>>, %arg18: memref<!tpu.dma_semaphore, #tpu.memory_space<semaphore_mem>>, %arg19: memref<!tpu.dma_semaphore, #tpu.memory_space<semaphore_mem>>) attributes {dimension_semantics = [#tpu.dimension_semantics<core_parallel>, #tpu.dimension_semantics<subcore_parallel>], iteration_bounds = array<i64: 2, 16>, scalar_prefetch = 0 : i64, scratch_operands = 14 : i64, tpu.core_type = #tpu.core_type<sc_vector_subcore>, window_params = [{transform_indices = #map}, {transform_indices = #map}, {transform_indices = #map}, {transform_indices = #map1}]} {
    %mul3A = arith.constant 2 : i32
    %mul3A_0 = arith.muli %arg1, %mul3A : i32
    %add3A = arith.addi %mul3A_0, %arg0 : i32
    %mul3A_1 = arith.constant 512 : i32
    %mul3A_2 = arith.muli %add3A, %mul3A_1 : i32
    %dma_start3A = arith.constant 0 : i32
    %dma_start3A_3 = arith.constant 0 : i32
    %dma_start3A_4 = arith.constant 0 : i32
    %dma_start3A_5 = tpu.memref_slice %arg6[%arg1, %dma_start3A_3, %dma_start3A_4] : memref<16x2x128xf32, #tpu.memory_space<vmem_shared>> -> memref<1x2x128xf32, #tpu.memory_space<vmem_shared>>
    %dma_start3A_6 = tpu.memref_squeeze %dma_start3A_5 : memref<1x2x128xf32, #tpu.memory_space<vmem_shared>> -> memref<2x128xf32, #tpu.memory_space<vmem_shared>>
    %dma_start3A_7 = arith.constant 0 : i32
    %dma_start3A_8 = tpu.memref_slice %dma_start3A_6[%dma_start3A, %dma_start3A_7] : memref<2x128xf32, #tpu.memory_space<vmem_shared>> -> memref<1x128xf32, #tpu.memory_space<vmem_shared>>
    %dma_start3A_9 = tpu.memref_squeeze %dma_start3A_8 : memref<1x128xf32, #tpu.memory_space<vmem_shared>> -> memref<128xf32, #tpu.memory_space<vmem_shared>>
    tpu.enqueue_dma source(%arg2 : memref<128xf32, #tpu.memory_space<hbm>>) target(%dma_start3A_9 : memref<128xf32, #tpu.memory_space<vmem_shared>>) target_semaphore(%arg9 : memref<!tpu.dma_semaphore, #tpu.memory_space<semaphore_mem>>)
    %dma_start3A_10 = arith.constant 1 : i32
    %dma_start3A_11 = arith.constant 0 : i32
    %dma_start3A_12 = arith.constant 0 : i32
    %dma_start3A_13 = tpu.memref_slice %arg6[%arg1, %dma_start3A_11, %dma_start3A_12] : memref<16x2x128xf32, #tpu.memory_space<vmem_shared>> -> memref<1x2x128xf32, #tpu.memory_space<vmem_shared>>
    %dma_start3A_14 = tpu.memref_squeeze %dma_start3A_13 : memref<1x2x128xf32, #tpu.memory_space<vmem_shared>> -> memref<2x128xf32, #tpu.memory_space<vmem_shared>>
    %dma_start3A_15 = arith.constant 0 : i32
    %dma_start3A_16 = tpu.memref_slice %dma_start3A_14[%dma_start3A_10, %dma_start3A_15] : memref<2x128xf32, #tpu.memory_space<vmem_shared>> -> memref<1x128xf32, #tpu.memory_space<vmem_shared>>
    %dma_start3A_17 = tpu.memref_squeeze %dma_start3A_16 : memref<1x128xf32, #tpu.memory_space<vmem_shared>> -> memref<128xf32, #tpu.memory_space<vmem_shared>>
    tpu.enqueue_dma source(%arg3 : memref<128xf32, #tpu.memory_space<hbm>>) target(%dma_start3A_17 : memref<128xf32, #tpu.memory_space<vmem_shared>>) target_semaphore(%arg10 : memref<!tpu.dma_semaphore, #tpu.memory_space<semaphore_mem>>)
    %dma_start3A_18 = tpu.memref_slice %arg4[%mul3A_2] : memref<16384xi32, #tpu.memory_space<hbm>> -> memref<512xi32, #tpu.memory_space<hbm>>
    %dma_start3A_19 = tpu.memref_slice %arg4[%mul3A_2] : memref<16384xi32, #tpu.memory_space<hbm>> -> memref<512xi32, #tpu.memory_space<hbm>>
    tpu.enqueue_dma source(%dma_start3A_19 : memref<512xi32, #tpu.memory_space<hbm>>) target(%arg7 : memref<512xi32, #tpu.memory_space<vmem>>) target_semaphore(%arg12 : memref<!tpu.dma_semaphore, #tpu.memory_space<semaphore_mem>>)
    %dma_wait3A = arith.constant 0 : i32
    %dma_wait3A_20 = arith.constant 0 : i32
    %dma_wait3A_21 = arith.constant 0 : i32
    %dma_wait3A_22 = tpu.memref_slice %arg6[%arg1, %dma_wait3A_20, %dma_wait3A_21] : memref<16x2x128xf32, #tpu.memory_space<vmem_shared>> -> memref<1x2x128xf32, #tpu.memory_space<vmem_shared>>
    %dma_wait3A_23 = tpu.memref_squeeze %dma_wait3A_22 : memref<1x2x128xf32, #tpu.memory_space<vmem_shared>> -> memref<2x128xf32, #tpu.memory_space<vmem_shared>>
    %dma_wait3A_24 = arith.constant 0 : i32
    %dma_wait3A_25 = tpu.memref_slice %dma_wait3A_23[%dma_wait3A, %dma_wait3A_24] : memref<2x128xf32, #tpu.memory_space<vmem_shared>> -> memref<1x128xf32, #tpu.memory_space<vmem_shared>>
    %dma_wait3A_26 = tpu.memref_squeeze %dma_wait3A_25 : memref<1x128xf32, #tpu.memory_space<vmem_shared>> -> memref<128xf32, #tpu.memory_space<vmem_shared>>
    tpu.wait_dma2 semaphore(%arg9 : memref<!tpu.dma_semaphore, #tpu.memory_space<semaphore_mem>>) src(%arg2 : memref<128xf32, #tpu.memory_space<hbm>>) dst(%dma_wait3A_26 : memref<128xf32, #tpu.memory_space<vmem_shared>>)
    %dma_wait3A_27 = arith.constant 1 : i32
    %dma_wait3A_28 = arith.constant 0 : i32
    %dma_wait3A_29 = arith.constant 0 : i32
    %dma_wait3A_30 = tpu.memref_slice %arg6[%arg1, %dma_wait3A_28, %dma_wait3A_29] : memref<16x2x128xf32, #tpu.memory_space<vmem_shared>> -> memref<1x2x128xf32, #tpu.memory_space<vmem_shared>>
    %dma_wait3A_31 = tpu.memref_squeeze %dma_wait3A_30 : memref<1x2x128xf32, #tpu.memory_space<vmem_shared>> -> memref<2x128xf32, #tpu.memory_space<vmem_shared>>
    %dma_wait3A_32 = arith.constant 0 : i32
    %dma_wait3A_33 = tpu.memref_slice %dma_wait3A_31[%dma_wait3A_27, %dma_wait3A_32] : memref<2x128xf32, #tpu.memory_space<vmem_shared>> -> memref<1x128xf32, #tpu.memory_space<vmem_shared>>
    %dma_wait3A_34 = tpu.memref_squeeze %dma_wait3A_33 : memref<1x128xf32, #tpu.memory_space<vmem_shared>> -> memref<128xf32, #tpu.memory_space<vmem_shared>>
    tpu.wait_dma2 semaphore(%arg10 : memref<!tpu.dma_semaphore, #tpu.memory_space<semaphore_mem>>) src(%arg3 : memref<128xf32, #tpu.memory_space<hbm>>) dst(%dma_wait3A_34 : memref<128xf32, #tpu.memory_space<vmem_shared>>)
    %dma_wait3A_35 = tpu.memref_slice %arg4[%mul3A_2] : memref<16384xi32, #tpu.memory_space<hbm>> -> memref<512xi32, #tpu.memory_space<hbm>>
    %dma_wait3A_36 = tpu.memref_slice %arg4[%mul3A_2] : memref<16384xi32, #tpu.memory_space<hbm>> -> memref<512xi32, #tpu.memory_space<hbm>>
    tpu.wait_dma2 semaphore(%arg12 : memref<!tpu.dma_semaphore, #tpu.memory_space<semaphore_mem>>) src(%dma_wait3A_36 : memref<512xi32, #tpu.memory_space<hbm>>) dst(%arg7 : memref<512xi32, #tpu.memory_space<vmem>>)
    %dma_start3A_37 = arith.constant 0 : i32
    %dma_start3A_38 = arith.constant 0 : i32
    %dma_start3A_39 = tpu.memref_slice %arg8[%dma_start3A_37, %dma_start3A_38] : memref<512x128xf32, #tpu.memory_space<vmem>> -> memref<128x128xf32, #tpu.memory_space<vmem>>
    %dma_start3A_40 = arith.constant 0 : i32
    %dma_start3A_41 = tpu.memref_slice %arg7[%dma_start3A_40] : memref<512xi32, #tpu.memory_space<vmem>> -> memref<128xi32, #tpu.memory_space<vmem>>
    %dma_start3A_42 = arith.constant 0 : i32
    %dma_start3A_43 = arith.constant 0 : i32
    %dma_start3A_44 = tpu.memref_slice %arg6[%arg1, %dma_start3A_42, %dma_start3A_43] : memref<16x2x128xf32, #tpu.memory_space<vmem_shared>> -> memref<1x2x128xf32, #tpu.memory_space<vmem_shared>>
    %dma_start3A_45 = tpu.memref_squeeze %dma_start3A_44 : memref<1x2x128xf32, #tpu.memory_space<vmem_shared>> -> memref<2x128xf32, #tpu.memory_space<vmem_shared>>
    %dma_start3A_46 = arith.constant 0 : i32
    %dma_start3A_47 = arith.constant 0 : i32
    %dma_start3A_48 = tpu.memref_slice %dma_start3A_45[%dma_start3A_46, %dma_start3A_47] : memref<2x128xf32, #tpu.memory_space<vmem_shared>> -> memref<2x128xf32, #tpu.memory_space<vmem_shared>>
    tpu.enqueue_indirect_dma source(%dma_start3A_48 : memref<2x128xf32, #tpu.memory_space<vmem_shared>>) target(%dma_start3A_39 : memref<128x128xf32, #tpu.memory_space<vmem>>) offsets(%dma_start3A_41 : memref<128xi32, #tpu.memory_space<vmem>>) semaphore(%arg13 : memref<!tpu.dma_semaphore, #tpu.memory_space<semaphore_mem>>)
    %dma_start3A_49 = arith.constant 128 : i32
    %dma_start3A_50 = arith.constant 0 : i32
    %dma_start3A_51 = tpu.memref_slice %arg8[%dma_start3A_49, %dma_start3A_50] : memref<512x128xf32, #tpu.memory_space<vmem>> -> memref<128x128xf32, #tpu.memory_space<vmem>>
    %dma_start3A_52 = arith.constant 128 : i32
    %dma_start3A_53 = tpu.memref_slice %arg7[%dma_start3A_52] : memref<512xi32, #tpu.memory_space<vmem>> -> memref<128xi32, #tpu.memory_space<vmem>>
    %dma_start3A_54 = arith.constant 0 : i32
    %dma_start3A_55 = arith.constant 0 : i32
    %dma_start3A_56 = tpu.memref_slice %arg6[%arg1, %dma_start3A_54, %dma_start3A_55] : memref<16x2x128xf32, #tpu.memory_space<vmem_shared>> -> memref<1x2x128xf32, #tpu.memory_space<vmem_shared>>
    %dma_start3A_57 = tpu.memref_squeeze %dma_start3A_56 : memref<1x2x128xf32, #tpu.memory_space<vmem_shared>> -> memref<2x128xf32, #tpu.memory_space<vmem_shared>>
    %dma_start3A_58 = arith.constant 0 : i32
    %dma_start3A_59 = arith.constant 0 : i32
    %dma_start3A_60 = tpu.memref_slice %dma_start3A_57[%dma_start3A_58, %dma_start3A_59] : memref<2x128xf32, #tpu.memory_space<vmem_shared>> -> memref<2x128xf32, #tpu.memory_space<vmem_shared>>
    tpu.enqueue_indirect_dma source(%dma_start3A_60 : memref<2x128xf32, #tpu.memory_space<vmem_shared>>) target(%dma_start3A_51 : memref<128x128xf32, #tpu.memory_space<vmem>>) offsets(%dma_start3A_53 : memref<128xi32, #tpu.memory_space<vmem>>) semaphore(%arg14 : memref<!tpu.dma_semaphore, #tpu.memory_space<semaphore_mem>>)
    %dma_start3A_61 = arith.constant 256 : i32
    %dma_start3A_62 = arith.constant 0 : i32
    %dma_start3A_63 = tpu.memref_slice %arg8[%dma_start3A_61, %dma_start3A_62] : memref<512x128xf32, #tpu.memory_space<vmem>> -> memref<128x128xf32, #tpu.memory_space<vmem>>
    %dma_start3A_64 = arith.constant 256 : i32
    %dma_start3A_65 = tpu.memref_slice %arg7[%dma_start3A_64] : memref<512xi32, #tpu.memory_space<vmem>> -> memref<128xi32, #tpu.memory_space<vmem>>
    %dma_start3A_66 = arith.constant 0 : i32
    %dma_start3A_67 = arith.constant 0 : i32
    %dma_start3A_68 = tpu.memref_slice %arg6[%arg1, %dma_start3A_66, %dma_start3A_67] : memref<16x2x128xf32, #tpu.memory_space<vmem_shared>> -> memref<1x2x128xf32, #tpu.memory_space<vmem_shared>>
    %dma_start3A_69 = tpu.memref_squeeze %dma_start3A_68 : memref<1x2x128xf32, #tpu.memory_space<vmem_shared>> -> memref<2x128xf32, #tpu.memory_space<vmem_shared>>
    %dma_start3A_70 = arith.constant 0 : i32
    %dma_start3A_71 = arith.constant 0 : i32
    %dma_start3A_72 = tpu.memref_slice %dma_start3A_69[%dma_start3A_70, %dma_start3A_71] : memref<2x128xf32, #tpu.memory_space<vmem_shared>> -> memref<2x128xf32, #tpu.memory_space<vmem_shared>>
    tpu.enqueue_indirect_dma source(%dma_start3A_72 : memref<2x128xf32, #tpu.memory_space<vmem_shared>>) target(%dma_start3A_63 : memref<128x128xf32, #tpu.memory_space<vmem>>) offsets(%dma_start3A_65 : memref<128xi32, #tpu.memory_space<vmem>>) semaphore(%arg15 : memref<!tpu.dma_semaphore, #tpu.memory_space<semaphore_mem>>)
    %dma_start3A_73 = arith.constant 384 : i32
    %dma_start3A_74 = arith.constant 0 : i32
    %dma_start3A_75 = tpu.memref_slice %arg8[%dma_start3A_73, %dma_start3A_74] : memref<512x128xf32, #tpu.memory_space<vmem>> -> memref<128x128xf32, #tpu.memory_space<vmem>>
    %dma_start3A_76 = arith.constant 384 : i32
    %dma_start3A_77 = tpu.memref_slice %arg7[%dma_start3A_76] : memref<512xi32, #tpu.memory_space<vmem>> -> memref<128xi32, #tpu.memory_space<vmem>>
    %dma_start3A_78 = arith.constant 0 : i32
    %dma_start3A_79 = arith.constant 0 : i32
    %dma_start3A_80 = tpu.memref_slice %arg6[%arg1, %dma_start3A_78, %dma_start3A_79] : memref<16x2x128xf32, #tpu.memory_space<vmem_shared>> -> memref<1x2x128xf32, #tpu.memory_space<vmem_shared>>
    %dma_start3A_81 = tpu.memref_squeeze %dma_start3A_80 : memref<1x2x128xf32, #tpu.memory_space<vmem_shared>> -> memref<2x128xf32, #tpu.memory_space<vmem_shared>>
    %dma_start3A_82 = arith.constant 0 : i32
    %dma_start3A_83 = arith.constant 0 : i32
    %dma_start3A_84 = tpu.memref_slice %dma_start3A_81[%dma_start3A_82, %dma_start3A_83] : memref<2x128xf32, #tpu.memory_space<vmem_shared>> -> memref<2x128xf32, #tpu.memory_space<vmem_shared>>
    tpu.enqueue_indirect_dma source(%dma_start3A_84 : memref<2x128xf32, #tpu.memory_space<vmem_shared>>) target(%dma_start3A_75 : memref<128x128xf32, #tpu.memory_space<vmem>>) offsets(%dma_start3A_77 : memref<128xi32, #tpu.memory_space<vmem>>) semaphore(%arg16 : memref<!tpu.dma_semaphore, #tpu.memory_space<semaphore_mem>>)
    %dma_wait3A_85 = arith.constant 0 : i32
    %dma_wait3A_86 = arith.constant 0 : i32
    %dma_wait3A_87 = tpu.memref_slice %arg8[%dma_wait3A_85, %dma_wait3A_86] : memref<512x128xf32, #tpu.memory_space<vmem>> -> memref<128x128xf32, #tpu.memory_space<vmem>>
    %dma_wait3A_88 = arith.constant 0 : i32
    %dma_wait3A_89 = tpu.memref_slice %arg7[%dma_wait3A_88] : memref<512xi32, #tpu.memory_space<vmem>> -> memref<128xi32, #tpu.memory_space<vmem>>
    %dma_wait3A_90 = arith.constant 0 : i32
    %dma_wait3A_91 = arith.constant 0 : i32
    %dma_wait3A_92 = tpu.memref_slice %arg6[%arg1, %dma_wait3A_90, %dma_wait3A_91] : memref<16x2x128xf32, #tpu.memory_space<vmem_shared>> -> memref<1x2x128xf32, #tpu.memory_space<vmem_shared>>
    %dma_wait3A_93 = tpu.memref_squeeze %dma_wait3A_92 : memref<1x2x128xf32, #tpu.memory_space<vmem_shared>> -> memref<2x128xf32, #tpu.memory_space<vmem_shared>>
    %dma_wait3A_94 = arith.constant 0 : i32
    %dma_wait3A_95 = arith.constant 0 : i32
    %dma_wait3A_96 = tpu.memref_slice %dma_wait3A_93[%dma_wait3A_94, %dma_wait3A_95] : memref<2x128xf32, #tpu.memory_space<vmem_shared>> -> memref<2x128xf32, #tpu.memory_space<vmem_shared>>
    tpu.wait_indirect_dma semaphore(%arg13 : memref<!tpu.dma_semaphore, #tpu.memory_space<semaphore_mem>>) src(%dma_wait3A_96 : memref<2x128xf32, #tpu.memory_space<vmem_shared>>) dst(%dma_wait3A_87 : memref<128x128xf32, #tpu.memory_space<vmem>>)
    %add3A_97 = arith.constant 0 : i32
    %add3A_98 = arith.addi %mul3A_2, %add3A_97 : i32
    %dma_start3A_99 = arith.constant 0 : i32
    %dma_start3A_100 = arith.constant 0 : i32
    %dma_start3A_101 = arith.constant 0 : i32
    %dma_start3A_102 = tpu.memref_slice %arg8[%dma_start3A_100, %dma_start3A_101] : memref<512x128xf32, #tpu.memory_space<vmem>> -> memref<128x128xf32, #tpu.memory_space<vmem>>
    %dma_start3A_103 = arith.constant 0 : i32
    %dma_start3A_104 = arith.constant 0 : i32
    %dma_start3A_105 = tpu.memref_slice %arg5[%dma_start3A_99, %dma_start3A_103, %dma_start3A_104] : memref<1x16384x128xf32, #tpu.memory_space<hbm>> -> memref<1x16384x128xf32, #tpu.memory_space<hbm>>
    %dma_start3A_106 = tpu.memref_squeeze %dma_start3A_105 : memref<1x16384x128xf32, #tpu.memory_space<hbm>> -> memref<16384x128xf32, #tpu.memory_space<hbm>>
    %dma_start3A_107 = arith.constant 0 : i32
    %dma_start3A_108 = tpu.memref_slice %dma_start3A_106[%add3A_98, %dma_start3A_107] : memref<16384x128xf32, #tpu.memory_space<hbm>> -> memref<128x128xf32, #tpu.memory_space<hbm>>
    %dma_start3A_109 = arith.constant 0 : i32
    %dma_start3A_110 = arith.constant 0 : i32
    %dma_start3A_111 = tpu.memref_slice %arg5[%dma_start3A_99, %dma_start3A_109, %dma_start3A_110] : memref<1x16384x128xf32, #tpu.memory_space<hbm>> -> memref<1x16384x128xf32, #tpu.memory_space<hbm>>
    %dma_start3A_112 = tpu.memref_squeeze %dma_start3A_111 : memref<1x16384x128xf32, #tpu.memory_space<hbm>> -> memref<16384x128xf32, #tpu.memory_space<hbm>>
    %dma_start3A_113 = arith.constant 0 : i32
    %dma_start3A_114 = tpu.memref_slice %dma_start3A_112[%add3A_98, %dma_start3A_113] : memref<16384x128xf32, #tpu.memory_space<hbm>> -> memref<128x128xf32, #tpu.memory_space<hbm>>
    %dma_start3A_115 = arith.constant 0 : i32
    %dma_start3A_116 = arith.constant 0 : i32
    %dma_start3A_117 = tpu.memref_slice %arg8[%dma_start3A_115, %dma_start3A_116] : memref<512x128xf32, #tpu.memory_space<vmem>> -> memref<128x128xf32, #tpu.memory_space<vmem>>
    tpu.enqueue_dma source(%dma_start3A_117 : memref<128x128xf32, #tpu.memory_space<vmem>>) target(%dma_start3A_114 : memref<128x128xf32, #tpu.memory_space<hbm>>) target_semaphore(%arg11 : memref<!tpu.dma_semaphore, #tpu.memory_space<semaphore_mem>>)
    %dma_wait3A_118 = arith.constant 128 : i32
    %dma_wait3A_119 = arith.constant 0 : i32
    %dma_wait3A_120 = tpu.memref_slice %arg8[%dma_wait3A_118, %dma_wait3A_119] : memref<512x128xf32, #tpu.memory_space<vmem>> -> memref<128x128xf32, #tpu.memory_space<vmem>>
    %dma_wait3A_121 = arith.constant 128 : i32
    %dma_wait3A_122 = tpu.memref_slice %arg7[%dma_wait3A_121] : memref<512xi32, #tpu.memory_space<vmem>> -> memref<128xi32, #tpu.memory_space<vmem>>
    %dma_wait3A_123 = arith.constant 0 : i32
    %dma_wait3A_124 = arith.constant 0 : i32
    %dma_wait3A_125 = tpu.memref_slice %arg6[%arg1, %dma_wait3A_123, %dma_wait3A_124] : memref<16x2x128xf32, #tpu.memory_space<vmem_shared>> -> memref<1x2x128xf32, #tpu.memory_space<vmem_shared>>
    %dma_wait3A_126 = tpu.memref_squeeze %dma_wait3A_125 : memref<1x2x128xf32, #tpu.memory_space<vmem_shared>> -> memref<2x128xf32, #tpu.memory_space<vmem_shared>>
    %dma_wait3A_127 = arith.constant 0 : i32
    %dma_wait3A_128 = arith.constant 0 : i32
    %dma_wait3A_129 = tpu.memref_slice %dma_wait3A_126[%dma_wait3A_127, %dma_wait3A_128] : memref<2x128xf32, #tpu.memory_space<vmem_shared>> -> memref<2x128xf32, #tpu.memory_space<vmem_shared>>
    tpu.wait_indirect_dma semaphore(%arg14 : memref<!tpu.dma_semaphore, #tpu.memory_space<semaphore_mem>>) src(%dma_wait3A_129 : memref<2x128xf32, #tpu.memory_space<vmem_shared>>) dst(%dma_wait3A_120 : memref<128x128xf32, #tpu.memory_space<vmem>>)
    %add3A_130 = arith.constant 128 : i32
    %add3A_131 = arith.addi %mul3A_2, %add3A_130 : i32
    %dma_start3A_132 = arith.constant 0 : i32
    %dma_start3A_133 = arith.constant 128 : i32
    %dma_start3A_134 = arith.constant 0 : i32
    %dma_start3A_135 = tpu.memref_slice %arg8[%dma_start3A_133, %dma_start3A_134] : memref<512x128xf32, #tpu.memory_space<vmem>> -> memref<128x128xf32, #tpu.memory_space<vmem>>
    %dma_start3A_136 = arith.constant 0 : i32
    %dma_start3A_137 = arith.constant 0 : i32
    %dma_start3A_138 = tpu.memref_slice %arg5[%dma_start3A_132, %dma_start3A_136, %dma_start3A_137] : memref<1x16384x128xf32, #tpu.memory_space<hbm>> -> memref<1x16384x128xf32, #tpu.memory_space<hbm>>
    %dma_start3A_139 = tpu.memref_squeeze %dma_start3A_138 : memref<1x16384x128xf32, #tpu.memory_space<hbm>> -> memref<16384x128xf32, #tpu.memory_space<hbm>>
    %dma_start3A_140 = arith.constant 0 : i32
    %dma_start3A_141 = tpu.memref_slice %dma_start3A_139[%add3A_131, %dma_start3A_140] : memref<16384x128xf32, #tpu.memory_space<hbm>> -> memref<128x128xf32, #tpu.memory_space<hbm>>
    %dma_start3A_142 = arith.constant 0 : i32
    %dma_start3A_143 = arith.constant 0 : i32
    %dma_start3A_144 = tpu.memref_slice %arg5[%dma_start3A_132, %dma_start3A_142, %dma_start3A_143] : memref<1x16384x128xf32, #tpu.memory_space<hbm>> -> memref<1x16384x128xf32, #tpu.memory_space<hbm>>
    %dma_start3A_145 = tpu.memref_squeeze %dma_start3A_144 : memref<1x16384x128xf32, #tpu.memory_space<hbm>> -> memref<16384x128xf32, #tpu.memory_space<hbm>>
    %dma_start3A_146 = arith.constant 0 : i32
    %dma_start3A_147 = tpu.memref_slice %dma_start3A_145[%add3A_131, %dma_start3A_146] : memref<16384x128xf32, #tpu.memory_space<hbm>> -> memref<128x128xf32, #tpu.memory_space<hbm>>
    %dma_start3A_148 = arith.constant 128 : i32
    %dma_start3A_149 = arith.constant 0 : i32
    %dma_start3A_150 = tpu.memref_slice %arg8[%dma_start3A_148, %dma_start3A_149] : memref<512x128xf32, #tpu.memory_space<vmem>> -> memref<128x128xf32, #tpu.memory_space<vmem>>
    tpu.enqueue_dma source(%dma_start3A_150 : memref<128x128xf32, #tpu.memory_space<vmem>>) target(%dma_start3A_147 : memref<128x128xf32, #tpu.memory_space<hbm>>) target_semaphore(%arg11 : memref<!tpu.dma_semaphore, #tpu.memory_space<semaphore_mem>>)
    %dma_wait3A_151 = arith.constant 256 : i32
    %dma_wait3A_152 = arith.constant 0 : i32
    %dma_wait3A_153 = tpu.memref_slice %arg8[%dma_wait3A_151, %dma_wait3A_152] : memref<512x128xf32, #tpu.memory_space<vmem>> -> memref<128x128xf32, #tpu.memory_space<vmem>>
    %dma_wait3A_154 = arith.constant 256 : i32
    %dma_wait3A_155 = tpu.memref_slice %arg7[%dma_wait3A_154] : memref<512xi32, #tpu.memory_space<vmem>> -> memref<128xi32, #tpu.memory_space<vmem>>
    %dma_wait3A_156 = arith.constant 0 : i32
    %dma_wait3A_157 = arith.constant 0 : i32
    %dma_wait3A_158 = tpu.memref_slice %arg6[%arg1, %dma_wait3A_156, %dma_wait3A_157] : memref<16x2x128xf32, #tpu.memory_space<vmem_shared>> -> memref<1x2x128xf32, #tpu.memory_space<vmem_shared>>
    %dma_wait3A_159 = tpu.memref_squeeze %dma_wait3A_158 : memref<1x2x128xf32, #tpu.memory_space<vmem_shared>> -> memref<2x128xf32, #tpu.memory_space<vmem_shared>>
    %dma_wait3A_160 = arith.constant 0 : i32
    %dma_wait3A_161 = arith.constant 0 : i32
    %dma_wait3A_162 = tpu.memref_slice %dma_wait3A_159[%dma_wait3A_160, %dma_wait3A_161] : memref<2x128xf32, #tpu.memory_space<vmem_shared>> -> memref<2x128xf32, #tpu.memory_space<vmem_shared>>
    tpu.wait_indirect_dma semaphore(%arg15 : memref<!tpu.dma_semaphore, #tpu.memory_space<semaphore_mem>>) src(%dma_wait3A_162 : memref<2x128xf32, #tpu.memory_space<vmem_shared>>) dst(%dma_wait3A_153 : memref<128x128xf32, #tpu.memory_space<vmem>>)
    %add3A_163 = arith.constant 256 : i32
    %add3A_164 = arith.addi %mul3A_2, %add3A_163 : i32
    %dma_start3A_165 = arith.constant 0 : i32
    %dma_start3A_166 = arith.constant 256 : i32
    %dma_start3A_167 = arith.constant 0 : i32
    %dma_start3A_168 = tpu.memref_slice %arg8[%dma_start3A_166, %dma_start3A_167] : memref<512x128xf32, #tpu.memory_space<vmem>> -> memref<128x128xf32, #tpu.memory_space<vmem>>
    %dma_start3A_169 = arith.constant 0 : i32
    %dma_start3A_170 = arith.constant 0 : i32
    %dma_start3A_171 = tpu.memref_slice %arg5[%dma_start3A_165, %dma_start3A_169, %dma_start3A_170] : memref<1x16384x128xf32, #tpu.memory_space<hbm>> -> memref<1x16384x128xf32, #tpu.memory_space<hbm>>
    %dma_start3A_172 = tpu.memref_squeeze %dma_start3A_171 : memref<1x16384x128xf32, #tpu.memory_space<hbm>> -> memref<16384x128xf32, #tpu.memory_space<hbm>>
    %dma_start3A_173 = arith.constant 0 : i32
    %dma_start3A_174 = tpu.memref_slice %dma_start3A_172[%add3A_164, %dma_start3A_173] : memref<16384x128xf32, #tpu.memory_space<hbm>> -> memref<128x128xf32, #tpu.memory_space<hbm>>
    %dma_start3A_175 = arith.constant 0 : i32
    %dma_start3A_176 = arith.constant 0 : i32
    %dma_start3A_177 = tpu.memref_slice %arg5[%dma_start3A_165, %dma_start3A_175, %dma_start3A_176] : memref<1x16384x128xf32, #tpu.memory_space<hbm>> -> memref<1x16384x128xf32, #tpu.memory_space<hbm>>
    %dma_start3A_178 = tpu.memref_squeeze %dma_start3A_177 : memref<1x16384x128xf32, #tpu.memory_space<hbm>> -> memref<16384x128xf32, #tpu.memory_space<hbm>>
    %dma_start3A_179 = arith.constant 0 : i32
    %dma_start3A_180 = tpu.memref_slice %dma_start3A_178[%add3A_164, %dma_start3A_179] : memref<16384x128xf32, #tpu.memory_space<hbm>> -> memref<128x128xf32, #tpu.memory_space<hbm>>
    %dma_start3A_181 = arith.constant 256 : i32
    %dma_start3A_182 = arith.constant 0 : i32
    %dma_start3A_183 = tpu.memref_slice %arg8[%dma_start3A_181, %dma_start3A_182] : memref<512x128xf32, #tpu.memory_space<vmem>> -> memref<128x128xf32, #tpu.memory_space<vmem>>
    tpu.enqueue_dma source(%dma_start3A_183 : memref<128x128xf32, #tpu.memory_space<vmem>>) target(%dma_start3A_180 : memref<128x128xf32, #tpu.memory_space<hbm>>) target_semaphore(%arg11 : memref<!tpu.dma_semaphore, #tpu.memory_space<semaphore_mem>>)
    %dma_wait3A_184 = arith.constant 384 : i32
    %dma_wait3A_185 = arith.constant 0 : i32
    %dma_wait3A_186 = tpu.memref_slice %arg8[%dma_wait3A_184, %dma_wait3A_185] : memref<512x128xf32, #tpu.memory_space<vmem>> -> memref<128x128xf32, #tpu.memory_space<vmem>>
    %dma_wait3A_187 = arith.constant 384 : i32
    %dma_wait3A_188 = tpu.memref_slice %arg7[%dma_wait3A_187] : memref<512xi32, #tpu.memory_space<vmem>> -> memref<128xi32, #tpu.memory_space<vmem>>
    %dma_wait3A_189 = arith.constant 0 : i32
    %dma_wait3A_190 = arith.constant 0 : i32
    %dma_wait3A_191 = tpu.memref_slice %arg6[%arg1, %dma_wait3A_189, %dma_wait3A_190] : memref<16x2x128xf32, #tpu.memory_space<vmem_shared>> -> memref<1x2x128xf32, #tpu.memory_space<vmem_shared>>
    %dma_wait3A_192 = tpu.memref_squeeze %dma_wait3A_191 : memref<1x2x128xf32, #tpu.memory_space<vmem_shared>> -> memref<2x128xf32, #tpu.memory_space<vmem_shared>>
    %dma_wait3A_193 = arith.constant 0 : i32
    %dma_wait3A_194 = arith.constant 0 : i32
    %dma_wait3A_195 = tpu.memref_slice %dma_wait3A_192[%dma_wait3A_193, %dma_wait3A_194] : memref<2x128xf32, #tpu.memory_space<vmem_shared>> -> memref<2x128xf32, #tpu.memory_space<vmem_shared>>
    tpu.wait_indirect_dma semaphore(%arg16 : memref<!tpu.dma_semaphore, #tpu.memory_space<semaphore_mem>>) src(%dma_wait3A_195 : memref<2x128xf32, #tpu.memory_space<vmem_shared>>) dst(%dma_wait3A_186 : memref<128x128xf32, #tpu.memory_space<vmem>>)
    %add3A_196 = arith.constant 384 : i32
    %add3A_197 = arith.addi %mul3A_2, %add3A_196 : i32
    %dma_start3A_198 = arith.constant 0 : i32
    %dma_start3A_199 = arith.constant 384 : i32
    %dma_start3A_200 = arith.constant 0 : i32
    %dma_start3A_201 = tpu.memref_slice %arg8[%dma_start3A_199, %dma_start3A_200] : memref<512x128xf32, #tpu.memory_space<vmem>> -> memref<128x128xf32, #tpu.memory_space<vmem>>
    %dma_start3A_202 = arith.constant 0 : i32
    %dma_start3A_203 = arith.constant 0 : i32
    %dma_start3A_204 = tpu.memref_slice %arg5[%dma_start3A_198, %dma_start3A_202, %dma_start3A_203] : memref<1x16384x128xf32, #tpu.memory_space<hbm>> -> memref<1x16384x128xf32, #tpu.memory_space<hbm>>
    %dma_start3A_205 = tpu.memref_squeeze %dma_start3A_204 : memref<1x16384x128xf32, #tpu.memory_space<hbm>> -> memref<16384x128xf32, #tpu.memory_space<hbm>>
    %dma_start3A_206 = arith.constant 0 : i32
    %dma_start3A_207 = tpu.memref_slice %dma_start3A_205[%add3A_197, %dma_start3A_206] : memref<16384x128xf32, #tpu.memory_space<hbm>> -> memref<128x128xf32, #tpu.memory_space<hbm>>
    %dma_start3A_208 = arith.constant 0 : i32
    %dma_start3A_209 = arith.constant 0 : i32
    %dma_start3A_210 = tpu.memref_slice %arg5[%dma_start3A_198, %dma_start3A_208, %dma_start3A_209] : memref<1x16384x128xf32, #tpu.memory_space<hbm>> -> memref<1x16384x128xf32, #tpu.memory_space<hbm>>
    %dma_start3A_211 = tpu.memref_squeeze %dma_start3A_210 : memref<1x16384x128xf32, #tpu.memory_space<hbm>> -> memref<16384x128xf32, #tpu.memory_space<hbm>>
    %dma_start3A_212 = arith.constant 0 : i32
    %dma_start3A_213 = tpu.memref_slice %dma_start3A_211[%add3A_197, %dma_start3A_212] : memref<16384x128xf32, #tpu.memory_space<hbm>> -> memref<128x128xf32, #tpu.memory_space<hbm>>
    %dma_start3A_214 = arith.constant 384 : i32
    %dma_start3A_215 = arith.constant 0 : i32
    %dma_start3A_216 = tpu.memref_slice %arg8[%dma_start3A_214, %dma_start3A_215] : memref<512x128xf32, #tpu.memory_space<vmem>> -> memref<128x128xf32, #tpu.memory_space<vmem>>
    tpu.enqueue_dma source(%dma_start3A_216 : memref<128x128xf32, #tpu.memory_space<vmem>>) target(%dma_start3A_213 : memref<128x128xf32, #tpu.memory_space<hbm>>) target_semaphore(%arg11 : memref<!tpu.dma_semaphore, #tpu.memory_space<semaphore_mem>>)
    %dma_wait3A_217 = arith.constant 0 : i32
    %dma_wait3A_218 = arith.constant 0 : i32
    %dma_wait3A_219 = arith.constant 0 : i32
    %dma_wait3A_220 = tpu.memref_slice %arg8[%dma_wait3A_218, %dma_wait3A_219] : memref<512x128xf32, #tpu.memory_space<vmem>> -> memref<128x128xf32, #tpu.memory_space<vmem>>
    %dma_wait3A_221 = arith.constant 0 : i32
    %dma_wait3A_222 = arith.constant 0 : i32
    %dma_wait3A_223 = tpu.memref_slice %arg5[%dma_wait3A_217, %dma_wait3A_221, %dma_wait3A_222] : memref<1x16384x128xf32, #tpu.memory_space<hbm>> -> memref<1x16384x128xf32, #tpu.memory_space<hbm>>
    %dma_wait3A_224 = tpu.memref_squeeze %dma_wait3A_223 : memref<1x16384x128xf32, #tpu.memory_space<hbm>> -> memref<16384x128xf32, #tpu.memory_space<hbm>>
    %dma_wait3A_225 = arith.constant 0 : i32
    %dma_wait3A_226 = tpu.memref_slice %dma_wait3A_224[%add3A_98, %dma_wait3A_225] : memref<16384x128xf32, #tpu.memory_space<hbm>> -> memref<128x128xf32, #tpu.memory_space<hbm>>
    %dma_wait3A_227 = arith.constant 0 : i32
    %dma_wait3A_228 = arith.constant 0 : i32
    %dma_wait3A_229 = tpu.memref_slice %arg5[%dma_wait3A_217, %dma_wait3A_227, %dma_wait3A_228] : memref<1x16384x128xf32, #tpu.memory_space<hbm>> -> memref<1x16384x128xf32, #tpu.memory_space<hbm>>
    %dma_wait3A_230 = tpu.memref_squeeze %dma_wait3A_229 : memref<1x16384x128xf32, #tpu.memory_space<hbm>> -> memref<16384x128xf32, #tpu.memory_space<hbm>>
    %dma_wait3A_231 = arith.constant 0 : i32
    %dma_wait3A_232 = tpu.memref_slice %dma_wait3A_230[%add3A_98, %dma_wait3A_231] : memref<16384x128xf32, #tpu.memory_space<hbm>> -> memref<128x128xf32, #tpu.memory_space<hbm>>
    %dma_wait3A_233 = arith.constant 0 : i32
    %dma_wait3A_234 = arith.constant 0 : i32
    %dma_wait3A_235 = tpu.memref_slice %arg8[%dma_wait3A_233, %dma_wait3A_234] : memref<512x128xf32, #tpu.memory_space<vmem>> -> memref<128x128xf32, #tpu.memory_space<vmem>>
    tpu.wait_dma2 semaphore(%arg11 : memref<!tpu.dma_semaphore, #tpu.memory_space<semaphore_mem>>) src(%dma_wait3A_235 : memref<128x128xf32, #tpu.memory_space<vmem>>) dst(%dma_wait3A_232 : memref<128x128xf32, #tpu.memory_space<hbm>>)
    %dma_wait3A_236 = arith.constant 0 : i32
    %dma_wait3A_237 = arith.constant 128 : i32
    %dma_wait3A_238 = arith.constant 0 : i32
    %dma_wait3A_239 = tpu.memref_slice %arg8[%dma_wait3A_237, %dma_wait3A_238] : memref<512x128xf32, #tpu.memory_space<vmem>> -> memref<128x128xf32, #tpu.memory_space<vmem>>
    %dma_wait3A_240 = arith.constant 0 : i32
    %dma_wait3A_241 = arith.constant 0 : i32
    %dma_wait3A_242 = tpu.memref_slice %arg5[%dma_wait3A_236, %dma_wait3A_240, %dma_wait3A_241] : memref<1x16384x128xf32, #tpu.memory_space<hbm>> -> memref<1x16384x128xf32, #tpu.memory_space<hbm>>
    %dma_wait3A_243 = tpu.memref_squeeze %dma_wait3A_242 : memref<1x16384x128xf32, #tpu.memory_space<hbm>> -> memref<16384x128xf32, #tpu.memory_space<hbm>>
    %dma_wait3A_244 = arith.constant 0 : i32
    %dma_wait3A_245 = tpu.memref_slice %dma_wait3A_243[%add3A_131, %dma_wait3A_244] : memref<16384x128xf32, #tpu.memory_space<hbm>> -> memref<128x128xf32, #tpu.memory_space<hbm>>
    %dma_wait3A_246 = arith.constant 0 : i32
    %dma_wait3A_247 = arith.constant 0 : i32
    %dma_wait3A_248 = tpu.memref_slice %arg5[%dma_wait3A_236, %dma_wait3A_246, %dma_wait3A_247] : memref<1x16384x128xf32, #tpu.memory_space<hbm>> -> memref<1x16384x128xf32, #tpu.memory_space<hbm>>
    %dma_wait3A_249 = tpu.memref_squeeze %dma_wait3A_248 : memref<1x16384x128xf32, #tpu.memory_space<hbm>> -> memref<16384x128xf32, #tpu.memory_space<hbm>>
    %dma_wait3A_250 = arith.constant 0 : i32
    %dma_wait3A_251 = tpu.memref_slice %dma_wait3A_249[%add3A_131, %dma_wait3A_250] : memref<16384x128xf32, #tpu.memory_space<hbm>> -> memref<128x128xf32, #tpu.memory_space<hbm>>
    %dma_wait3A_252 = arith.constant 128 : i32
    %dma_wait3A_253 = arith.constant 0 : i32
    %dma_wait3A_254 = tpu.memref_slice %arg8[%dma_wait3A_252, %dma_wait3A_253] : memref<512x128xf32, #tpu.memory_space<vmem>> -> memref<128x128xf32, #tpu.memory_space<vmem>>
    tpu.wait_dma2 semaphore(%arg11 : memref<!tpu.dma_semaphore, #tpu.memory_space<semaphore_mem>>) src(%dma_wait3A_254 : memref<128x128xf32, #tpu.memory_space<vmem>>) dst(%dma_wait3A_251 : memref<128x128xf32, #tpu.memory_space<hbm>>)
    %dma_wait3A_255 = arith.constant 0 : i32
    %dma_wait3A_256 = arith.constant 256 : i32
    %dma_wait3A_257 = arith.constant 0 : i32
    %dma_wait3A_258 = tpu.memref_slice %arg8[%dma_wait3A_256, %dma_wait3A_257] : memref<512x128xf32, #tpu.memory_space<vmem>> -> memref<128x128xf32, #tpu.memory_space<vmem>>
    %dma_wait3A_259 = arith.constant 0 : i32
    %dma_wait3A_260 = arith.constant 0 : i32
    %dma_wait3A_261 = tpu.memref_slice %arg5[%dma_wait3A_255, %dma_wait3A_259, %dma_wait3A_260] : memref<1x16384x128xf32, #tpu.memory_space<hbm>> -> memref<1x16384x128xf32, #tpu.memory_space<hbm>>
    %dma_wait3A_262 = tpu.memref_squeeze %dma_wait3A_261 : memref<1x16384x128xf32, #tpu.memory_space<hbm>> -> memref<16384x128xf32, #tpu.memory_space<hbm>>
    %dma_wait3A_263 = arith.constant 0 : i32
    %dma_wait3A_264 = tpu.memref_slice %dma_wait3A_262[%add3A_164, %dma_wait3A_263] : memref<16384x128xf32, #tpu.memory_space<hbm>> -> memref<128x128xf32, #tpu.memory_space<hbm>>
    %dma_wait3A_265 = arith.constant 0 : i32
    %dma_wait3A_266 = arith.constant 0 : i32
    %dma_wait3A_267 = tpu.memref_slice %arg5[%dma_wait3A_255, %dma_wait3A_265, %dma_wait3A_266] : memref<1x16384x128xf32, #tpu.memory_space<hbm>> -> memref<1x16384x128xf32, #tpu.memory_space<hbm>>
    %dma_wait3A_268 = tpu.memref_squeeze %dma_wait3A_267 : memref<1x16384x128xf32, #tpu.memory_space<hbm>> -> memref<16384x128xf32, #tpu.memory_space<hbm>>
    %dma_wait3A_269 = arith.constant 0 : i32
    %dma_wait3A_270 = tpu.memref_slice %dma_wait3A_268[%add3A_164, %dma_wait3A_269] : memref<16384x128xf32, #tpu.memory_space<hbm>> -> memref<128x128xf32, #tpu.memory_space<hbm>>
    %dma_wait3A_271 = arith.constant 256 : i32
    %dma_wait3A_272 = arith.constant 0 : i32
    %dma_wait3A_273 = tpu.memref_slice %arg8[%dma_wait3A_271, %dma_wait3A_272] : memref<512x128xf32, #tpu.memory_space<vmem>> -> memref<128x128xf32, #tpu.memory_space<vmem>>
    tpu.wait_dma2 semaphore(%arg11 : memref<!tpu.dma_semaphore, #tpu.memory_space<semaphore_mem>>) src(%dma_wait3A_273 : memref<128x128xf32, #tpu.memory_space<vmem>>) dst(%dma_wait3A_270 : memref<128x128xf32, #tpu.memory_space<hbm>>)
    %dma_wait3A_274 = arith.constant 0 : i32
    %dma_wait3A_275 = arith.constant 384 : i32
    %dma_wait3A_276 = arith.constant 0 : i32
    %dma_wait3A_277 = tpu.memref_slice %arg8[%dma_wait3A_275, %dma_wait3A_276] : memref<512x128xf32, #tpu.memory_space<vmem>> -> memref<128x128xf32, #tpu.memory_space<vmem>>
    %dma_wait3A_278 = arith.constant 0 : i32
    %dma_wait3A_279 = arith.constant 0 : i32
    %dma_wait3A_280 = tpu.memref_slice %arg5[%dma_wait3A_274, %dma_wait3A_278, %dma_wait3A_279] : memref<1x16384x128xf32, #tpu.memory_space<hbm>> -> memref<1x16384x128xf32, #tpu.memory_space<hbm>>
    %dma_wait3A_281 = tpu.memref_squeeze %dma_wait3A_280 : memref<1x16384x128xf32, #tpu.memory_space<hbm>> -> memref<16384x128xf32, #tpu.memory_space<hbm>>
    %dma_wait3A_282 = arith.constant 0 : i32
    %dma_wait3A_283 = tpu.memref_slice %dma_wait3A_281[%add3A_197, %dma_wait3A_282] : memref<16384x128xf32, #tpu.memory_space<hbm>> -> memref<128x128xf32, #tpu.memory_space<hbm>>
    %dma_wait3A_284 = arith.constant 0 : i32
    %dma_wait3A_285 = arith.constant 0 : i32
    %dma_wait3A_286 = tpu.memref_slice %arg5[%dma_wait3A_274, %dma_wait3A_284, %dma_wait3A_285] : memref<1x16384x128xf32, #tpu.memory_space<hbm>> -> memref<1x16384x128xf32, #tpu.memory_space<hbm>>
    %dma_wait3A_287 = tpu.memref_squeeze %dma_wait3A_286 : memref<1x16384x128xf32, #tpu.memory_space<hbm>> -> memref<16384x128xf32, #tpu.memory_space<hbm>>
    %dma_wait3A_288 = arith.constant 0 : i32
    %dma_wait3A_289 = tpu.memref_slice %dma_wait3A_287[%add3A_197, %dma_wait3A_288] : memref<16384x128xf32, #tpu.memory_space<hbm>> -> memref<128x128xf32, #tpu.memory_space<hbm>>
    %dma_wait3A_290 = arith.constant 384 : i32
    %dma_wait3A_291 = arith.constant 0 : i32
    %dma_wait3A_292 = tpu.memref_slice %arg8[%dma_wait3A_290, %dma_wait3A_291] : memref<512x128xf32, #tpu.memory_space<vmem>> -> memref<128x128xf32, #tpu.memory_space<vmem>>
    tpu.wait_dma2 semaphore(%arg11 : memref<!tpu.dma_semaphore, #tpu.memory_space<semaphore_mem>>) src(%dma_wait3A_292 : memref<128x128xf32, #tpu.memory_space<vmem>>) dst(%dma_wait3A_289 : memref<128x128xf32, #tpu.memory_space<hbm>>)
    return
  }
}

</mosaic_0001>

<sc_bundles>
// kernel: kernel.3.cloned.1.call-start
scs
__scs_entry_jumppad:
0x0: {  	(pc) =	sbr.rel $0x88, $3  }
0x1: {  	(tag) =	ssettag $0x0;
	lr =	simm.s32 $0x1  }
0x2: {  	[smem:$0x3F9E] =	sst lr;
	_ =	strace $0xD0000000  }
0x3: {  	_ = 	snop  }
0x4: {  	_ = 	snop  }
0x5: {  	_ = 	snop  }
0x6: {  	_ = 	snop  }
0x7: {  	_ = 	snop  }
__scs_overlays_trampoline_lowered:
0x8: {  	[smem:$0x3FAD] =	sst s0  }
0x9: {  	[smem:$0x3FAE] =	sst s1  }
0xa: {  	[smem:$0x3FAF] =	sst s2  }
0xb: {  	[smem:$0x3FB0] =	sst s3  }
0xc: {  	[smem:$0x3FB1] =	sst s4  }
0xd: {  	[smem:$0x3FB2] =	sst s5  }
0xe: {  	[smem:$0x3FB3] =	sst s6  }
0xf: {  	[smem:$0x3FB4] =	sst s7  }
0x10: {  	[smem:$0x3FB5] =	sst s8  }
0x11: {  	[smem:$0x3FB6] =	sst s9;
	s0 =	simm.s32 @!p0 $0x0  }
0x12: {  	s1 =	sld [smem:$0x3F9C];
	s0 =	simm.s32 @p0 $0x1  }
0x13: {  	[smem:$0x3FB7] =	sst s0;
	s0 =	simm.s32 @!p1 $0x0  }
0x14: {  	s2 =	sld [smem:$0x3F9B];
	s0 =	simm.s32 @p1 $0x1  }
0x15: {  	[smem:$0x3FB8] =	sst s0;
	s0 =	simm.s32 @!p2 $0x0  }
0x16: {  	s3 =	sld [smem:$0x3FDB];
	s0 =	simm.s32 @p2 $0x1  }
0x17: {  	s4 =	simm.s32 $0x1BF5;
	[smem:$0x3FBA] =	sst s0  }
0x18: {  	s0 =	sld [smem:$0x3F9D];
	_ =	swait.ge [sflag:s4], $0x0  }
0x19: {  	s7 =	sld [smem:$0x3F9E]  }
0x1a: {  	s8 =	sadd.s32 $0xFFFFE003, lr  }
0x1b: {  	s9 =	sadd.s32 $0xFFFFFEF7, lr;
	s5 =	simm.s32 $0xFFFFFFFF;
	p2 =	slt.u32 s8, $0xFFFFF086  }
0x1c: {  	p1 =	slt.u32 s9, $0xF7A;
	s5 =	simm.s32 @!p2 $0x0  }
0x1d: {  	s5 =	simm.s32 @p1 $0x1;
	p0 =	seq.s32 s7, s2  }
0x1e: {  	s7 =	smul.u32 @!p0 $0xF7A, s2;
	p2 =	seq.s32 @!p0 s5, $0x0  }
0x1f: {  	s9 =	smul.u32 $0xF7A, s1;
	s8 =	simm.s32 @!p0 $0x1BF5;
	p2 =	por !p2, p0  }
0x20: {  	[sflag:s8] =	ssyncset.s32 @!p0 $0xFFFFF086;
	s6 =	sadd.s32 @!p0 s3, s7;
	s7 =	simm.s32 @!p0 $0x108  }
0x21: {  	s3 =	sadd.s32 s3, s9;
	s6 =	sadd.s32 @!p0 $0x88, s6;
	s7 =	simm.s32 @p2 $0x1082  }
0x22: {  	[simem:s7], [sflag:s8] =	dma.local @!p0 [hbm:s6], $0xF7A  }
0x23: {  	s9 =	sor.u32 $0xD0000000, s2;
	s6 =	simm.s32 $0x108;
	_ =	swait.ge @!p0 [sflag:s8], $0x0  }
0x24: {  	s3 =	sadd.s32 $0x88, s3;
	s6 =	simm.s32 @!p1 $0x1082;
	[sflag:s4] =	ssyncset.s32 $0xFFFFF086  }
0x25: {  	[simem:s6], [sflag:s4] =	dma.local [hbm:s3], $0xF7A  }
0x26: {  	[smem:$0x3F9E] =	sst s1;
	(tag) =	ssettag s2;
	_ =	strace s9  }
0x27: {  	s1 =	sld [smem:$0x3FAE]  }
0x28: {  	s2 =	sld [smem:$0x3FAF]  }
0x29: {  	s4 =	sld [smem:$0x3FB1]  }
0x2a: {  	p0 =	seq.s32 s5, $0x0;
	s5 =	sld [smem:$0x3FB2]  }
0x2b: {  	s6 =	sld [smem:$0x3FB3]  }
0x2c: {  	s7 =	sld [smem:$0x3FB4]  }
0x2d: {  	s3 =	simm.s32 $0x108;
	s8 =	sld [smem:$0x3FB5]  }
0x2e: {  	s3 =	simm.s32 @!p0 $0x1082;
	s9 =	sld [smem:$0x3FB6]  }
0x2f: {  	lr =	sadd.s32 s0, s3;
	s0 =	sld [smem:$0x3FAD]  }
0x30: {  	s3 =	sld [smem:$0x3FB0]  }
0x31: {  	[smem:$0x3FB9] =	sst s10  }
0x32: {  	s10 =	sld [smem:$0x3FB7];
	_ =	sdelay $0x3  }
0x33: {  	p0 =	seq.s32 s10, $0x1;
	s10 =	sld [smem:$0x3FB9];
	_ =	sdelay $0x3  }
0x34: {  	[smem:$0x3FB9] =	sst s10  }
0x35: {  	s10 =	sld [smem:$0x3FB8];
	_ =	sdelay $0x3  }
0x36: {  	p1 =	seq.s32 s10, $0x1;
	s10 =	sld [smem:$0x3FB9];
	_ =	sdelay $0x3  }
0x37: {  	[smem:$0x3FB9] =	sst s10  }
0x38: {  	s10 =	sld [smem:$0x3FBA]  }
0x39: {  	_ = 	snop;
	(pc) =	sbr.ind lr, $3  }
0x3a: {  	_ = 	snop  }
0x3b: {  	_ = 	snop  }
0x3c: {  	p2 =	seq.s32 s10, $0x1;
	s10 =	sld [smem:$0x3FB9]  }
0x3d: {  	_ =	shalt  }
0x3e: {  	_ =	shalt  }
0x3f: {  	_ =	shalt  }
0x40: {  	_ =	shalt  }
0x41: {  	_ =	shalt  }
0x42: {  	_ =	shalt  }
0x43: {  	_ =	shalt  }
0x44: {  	_ =	shalt  }
0x45: {  	_ =	shalt  }
0x46: {  	_ =	shalt  }
0x47: {  	_ =	shalt  }
0x48: {  	_ =	shalt  }
0x49: {  	_ =	shalt  }
0x4a: {  	_ =	shalt  }
0x4b: {  	_ =	shalt  }
0x4c: {  	_ =	shalt  }
0x4d: {  	_ =	shalt  }
0x4e: {  	_ =	shalt  }
0x4f: {  	_ =	shalt  }
0x50: {  	_ =	shalt  }
0x51: {  	_ =	shalt  }
0x52: {  	_ =	shalt  }
0x53: {  	_ =	shalt  }
0x54: {  	_ =	shalt  }
0x55: {  	_ =	shalt  }
0x56: {  	_ =	shalt  }
0x57: {  	_ =	shalt  }
0x58: {  	_ =	shalt  }
0x59: {  	_ =	shalt  }
0x5a: {  	_ =	shalt  }
0x5b: {  	_ =	shalt  }
0x5c: {  	_ =	shalt  }
0x5d: {  	_ =	shalt  }
0x5e: {  	_ =	shalt  }
0x5f: {  	_ =	shalt  }
0x60: {  	_ =	shalt  }
0x61: {  	_ =	shalt  }
0x62: {  	_ =	shalt  }
0x63: {  	_ =	shalt  }
0x64: {  	_ =	shalt  }
0x65: {  	_ =	shalt  }
0x66: {  	_ =	shalt  }
0x67: {  	_ =	shalt  }
0x68: {  	_ =	shalt  }
0x69: {  	_ =	shalt  }
0x6a: {  	_ =	shalt  }
0x6b: {  	_ =	shalt  }
0x6c: {  	_ =	shalt  }
0x6d: {  	_ =	shalt  }
0x6e: {  	_ =	shalt  }
0x6f: {  	_ =	shalt  }
0x70: {  	_ =	shalt  }
0x71: {  	_ =	shalt  }
0x72: {  	_ =	shalt  }
0x73: {  	_ =	shalt  }
0x74: {  	_ =	shalt  }
0x75: {  	_ =	shalt  }
0x76: {  	_ =	shalt  }
0x77: {  	_ =	shalt  }
0x78: {  	_ =	shalt  }
0x79: {  	_ =	shalt  }
0x7a: {  	_ =	shalt  }
0x7b: {  	_ =	shalt  }
0x7c: {  	_ =	shalt  }
0x7d: {  	_ =	shalt  }
0x7e: {  	_ =	shalt  }
0x7f: {  	_ =	shalt  }
0x80: {  	_ =	shalt  }
0x81: {  	_ =	shalt  }
0x82: {  	_ =	shalt  }
0x83: {  	_ =	shalt  }
0x84: {  	_ =	shalt  }
0x85: {  	_ =	shalt  }
0x86: {  	_ =	shalt  }
0x87: {  	_ =	shalt  }
.Lfunc_end0:
.L_simem_size_0:
called_computation_lowered:
.L_overlay_start_0:
0x88: {  	s2 =	sld [smem:$0x3FD9]  }
0x89: {  	s3 =	sld [smem:$0x3FFE];
	_ =	sdelay $0x1  }
0x8a: {  	s1 =	srdreg.scid  }
0x8b: {  	s0 =	sand.u32 $0x1, s1  }
0x8c: {  	s18 =	sshll.u32 s0, $0xA;
	s2 =	sadd.s32 s3, s2  }
0x8d: {  	s2 =	sadd.s32 s2, s18  }
0x8e: {  	[smem:$0x3FC5] =	sst s2  }
0x8f: {  	_ = 	snop  }
0x90: {  	s2 =	sld [smem:$0x3FC9]  }
0x91: {  	s19 =	sld [smem:$0x3FC8]  }
0x92: {  	s4 =	sld [smem:$0x3FC7]  }
0x93: {  	s5 =	sld [smem:$0x3FD0];
	(tm) =	ssettm $0x1  }
0x94: {  	s6 =	sld [smem:$0x3FFB];
	_ =	sdelay $0x3  }
0x95: {  	_ =	strace s6  }
0x96: {  	s6 =	sld [smem:$0x3FFC];
	_ =	sdelay $0x3  }
0x97: {  	_ =	strace s6  }
0x98: {  	s6 =	sld [smem:$0x3FFD];
	_ =	sdelay $0x3  }
0x99: {  	_ =	strace s6  }
0x9a: {  	_ =	strace $0x8FFFFFFF  }
0x9b: {  	s20 =	sld [smem:$0x3FDB];
	_ =	sdelay $0x1  }
0x9c: {  	s7 =	simm.s32 $_scs_section_size  }
0x9d: {  	s8 =	simm.s32 $_size__tile_overlayer_lowered;
	s9 =	simm.s32 $_tile_overlayer_lowered  }
0x9e: {  	s23 =	simm.s32 $0x1BFF;
	s22 =	sshll.u32 s9, $0x1;
	s6 =	sadd.s32 s7, s20  }
0x9f: {  	s10 =	simm.s32 $0x0;
	s21 =	sshll.u32 s8, $0x1;
	s8 =	sadd.s32 s22, s6  }
0xa0: {  	[timem:s10], [sflag:s23] =	dma.local [hbm:s8], s21  }
0xa1: {  	_ =	swait.ge [sflag:s23], s21  }
0xa2: {  	s7 =	ssub.s32 $0x0, s21;
	[sflag:s23] =	ssyncset.done $0x0  }
0xa3: {  	[sflag:s23] =	ssyncadd.s32 s7;
	_ =	sdelay $0x1  }
0xa4: {  	s24 =	simm.s32 $0x1B8B  }
0xa5: {  	_ =	swait.ge [sflag:s24], $0x1  }
0xa6: {  	[sflag:s24] =	ssyncset.done $0x0  }
0xa7: {  	s25 =	simm.s32 $0x1B8E;
	[sflag:s24] =	ssyncadd.s32 $0xFFFFFFFF  }
0xa8: {  	s26 =	simm.s32 $execute0_lowered;
	[smem:$0x3FD2] =	sst s25  }
0xa9: {  	s7 =	sshll.u32 s26, $0x1;
	_ =	strace $0x80000046;
	[dreg:$0x1] =	wrdreg $0xFFFFFFFF  }
0xaa: {  	s28 =	simm.s32 $_size_execute0_lowered;
	s6 =	sadd.s32 s6, s7;
	[dreg:$0x0] =	wrdreg $0x0  }
0xab: {  	s7 =	sshll.u32 s28, $0x1;
	[dreg:$0x2] =	wrdreg s6  }
0xac: {  	[dreg:$0x3] =	wrdreg s7  }
0xad: {  	[dreg:$0x4] =	wrdreg $0xC0  }
0xae: {  	_ =	task [dreg:s10], $0x5FFFF  }
0xaf: {  	[dreg:$0x1] =	wrdreg $0xFFFFFFFF  }
0xb0: {  	[dreg:$0x0] =	wrdreg $0x60  }
0xb1: {  	[dreg:$0x2] =	wrdreg s19  }
0xb2: {  	[dreg:$0x3] =	wrdreg s4  }
0xb3: {  	[dreg:$0x4] =	wrdreg s2  }
0xb4: {  	[dreg:$0x5] =	wrdreg s5  }
0xb5: {  	[dreg:$0x6] =	wrdreg $0x0  }
0xb6: {  	[dreg:$0x7] =	wrdreg $0x9  }
0xb7: {  	_ =	task.clear_ibuf [dreg:s10], $0x8FFFF;
	_ =	strace $0x90000046  }
0xb8: {  	s29 =	simm.s32 $0x9;
	_ =	strace $0x80000048  }
0xb9: {  	_ =	swait.ge [sflag:s29], $0x1  }
0xba: {  	[sflag:s29] =	ssyncadd.s32 $0xFFFFFFFF  }
0xbb: {  	_ =	strace $0x90000048  }
0xbc: {  	_ =	sfence  }
0xbd: {  	s30 =	sld [smem:$0x0];
	_ =	sdelay $0x2  }
0xbe: {  	s31 =	sshll.u32 s1, $0xD;
	s1 =	sshrl.u32 s1, $0x2  }
0xbf: {  	s3 =	sand.u32 $0x4000, s31;
	s1 =	sadd.s32 s1, s30  }
0xc0: {  	s0 =	sor.u32 s3, s0;
	s1 =	sshll.u32 s1, $0x11  }
0xc1: {  	s0 =	sor.u32 s1, s0  }
0xc2: {  	s0 =	sadd.s32 $0x8F2B, s0  }
0xc3: {  	[sflag:s0] =	ssyncadd.remote.s32 $0x1  }
0xc4: {  	_ =	sfence.sel $0xFFFF  }
0xc5: {  	[dreg:$0x0] =	wrdreg $0xFFFFFFFF;
	(pc) =	sbr.abs _section_cstart, $3  }
0xc6: {  	[dreg:$0x1] =	wrdreg $0xFFFFFFFF  }
0xc7: {  	_ =	task.clear_ibuf [dreg:s10], $0x2FFFF;
	_ =	strace $0x9FFFFFFF  }
0xc8: {  	(tm) =	ssettm $0x7FFFFFFF  }
0xc9: {  	_ =	shalt  }
tec
execute0_lowered:
.L_overlay_start_1:
0x0: {  	(tag) =	ssettag $0x1  }
0x1: {  	s0 =	rddreg [dreg:$0x0]  }
0x2: {  	s1 =	rddreg [dreg:$0x1]  }
0x3: {  	s6 =	rddreg [dreg:$0x2]  }
0x4: {  	s23 =	rddreg [dreg:$0x3]  }
0x5: {  	s4 =	rddreg [dreg:$0x4];
	s3 =	simm.s32 $0x0;
	s26 =	srdreg.scid  }
0x6: {  	s2 =	stileid.u32;
	s11 =	simm.s32 $0x1;
	[dreg:$0x6] =	wrdreg s0  }
0x7: {  	[smem:$0x7FF] =	sst s3;
	s0 =	sand.u32 $0x1, s26;
	s5 =	sshll.u32 s2, $0xA  }
0x8: {  	s9 =	sshll.u32 s2, $0x6;
	s7 =	sshll.u32 s0, $0x9;
	s8 =	sshrl.u32 s5, $0x2  }
0x9: {  	_ =	strace $0x80000047;
	s24 =	sor.u32 s7, s5;
	s4 =	sadd.s32 s8, s4  }
0xa: {  	s5 =	sor.u32 $0x1C01, s9;
	s12 =	rddreg [dreg:$0x6];
	s7 =	sshrl.u32 s24, $0x3  }
0xb: {  	s8 =	sor.u32 $0x1C02, s9;
	s10 =	sadd.s32 $0x80, s4;
	s6 =	sadd.s32 s6, s7  }
0xc: {  	s7 =	sshrl.u32 s4, $0x3;
	s9 =	sshrl.u32 s10, $0x3;
	s10 =	simm.s32 $0x100  }
0xd: {  	[spmem:s7], [sflag:s5] =	dma.local [hbm:s12], $0x10  }
0xe: {  	[spmem:s9], [sflag:s8] =	dma.local [hbm:s1], $0x10  }
0xf: {  	[tilespmem:s10], [sflag:$0x4] =	stream.linear.gather [hbm4b:s6+s3], $0x200, $0x38;
	[tilespmem:$0x10300] =	vst v63  }
0x10: {  	_ =	swait.ge [sflag:s11], $0x10  }
0x11: {  	[sflag:s11] =	ssyncset.done $0x0  }
0x12: {  	s12 =	simm.s32 $0x2;
	[sflag:s11] =	ssyncadd.s32 $0xFFFFFFF0  }
0x13: {  	_ =	swait.ge [sflag:s12], $0x10  }
0x14: {  	[sflag:s12] =	ssyncset.done $0x0  }
0x15: {  	s13 =	simm.s32 $0x4;
	[sflag:s12] =	ssyncadd.s32 $0xFFFFFFF0  }
0x16: {  	_ =	swait.ge [sflag:s13], $0x200  }
0x17: {  	[sflag:s13] =	ssyncset.done $0x0  }
0x18: {  	s14 =	simm.s32 $0x80;
	s15 =	simm.s32 $0x300;
	[sflag:s13] =	ssyncadd.s32 $0xFFFFFE00  }
0x19: {  	[tilespmem:s15], [sflag:$0x5] =	stream.indirect.gather [spmem:s4], $0x80, s10, s14, $0xb8;
	[tilespmem:$0x10300] =	vst v63  }
0x1a: {  	s16 =	simm.s32 $0x180;
	s17 =	simm.s32 $0x4300  }
0x1b: {  	[tilespmem:s17], [sflag:$0x6] =	stream.indirect.gather [spmem:s4], $0x80, s16, s14, $0xb8;
	[tilespmem:$0x10300] =	vst v63  }
0x1c: {  	s18 =	simm.s32 $0x200;
	s19 =	simm.s32 $0x8300  }
0x1d: {  	[tilespmem:s19], [sflag:$0x7] =	stream.indirect.gather [spmem:s4], $0x80, s18, s14, $0xb8;
	[tilespmem:$0x10300] =	vst v63  }
0x1e: {  	s20 =	simm.s32 $0x280;
	s21 =	simm.s32 $0xC300;
	s22 =	simm.s32 $0x5  }
0x1f: {  	[tilespmem:s21], [sflag:$0x8] =	stream.indirect.gather [spmem:s4], $0x80, s20, s14, $0xb8;
	[tilespmem:$0x10300] =	vst v63  }
0x20: {  	_ =	swait.ge [sflag:s22], $0x4000  }
0x21: {  	s24 =	sshll.u32 s24, $0x4;
	[sflag:s22] =	ssyncset.done $0x0  }
0x22: {  	s23 =	sadd.s32 s23, s24;
	s24 =	simm.s32 $0x6;
	[sflag:s22] =	ssyncadd.s32 $0xFFFFC000  }
0x23: {  	[hbm4b:s23+s3] =	stream.linear.scatter [tilespmem:s15], [sflag:$0x3], $0x4000, $0x38;
	[tilespmem:$0x10300] =	vst v63  }
0x24: {  	_ =	swait.ge [sflag:s24], $0x4000  }
0x25: {  	[sflag:s24] =	ssyncset.done $0x0  }
0x26: {  	s26 =	simm.s32 $0x7;
	s25 =	sadd.s32 $0x800, s23;
	[sflag:s24] =	ssyncadd.s32 $0xFFFFC000  }
0x27: {  	[hbm4b:s25+s3] =	stream.linear.scatter [tilespmem:s17], [sflag:$0x3], $0x4000, $0x38;
	[tilespmem:$0x10300] =	vst v63  }
0x28: {  	_ =	swait.ge [sflag:s26], $0x4000  }
0x29: {  	[sflag:s26] =	ssyncset.done $0x0  }
0x2a: {  	s29 =	simm.s32 $0x8;
	s28 =	sadd.s32 $0x1000, s23;
	[sflag:s26] =	ssyncadd.s32 $0xFFFFC000  }
0x2b: {  	[hbm4b:s28+s3] =	stream.linear.scatter [tilespmem:s19], [sflag:$0x3], $0x4000, $0x38;
	[tilespmem:$0x10300] =	vst v63  }
0x2c: {  	_ =	swait.ge [sflag:s29], $0x4000  }
0x2d: {  	[sflag:s29] =	ssyncset.done $0x0  }
0x2e: {  	s30 =	simm.s32 $0x3;
	s31 =	sadd.s32 $0x1800, s23;
	[sflag:s29] =	ssyncadd.s32 $0xFFFFC000  }
0x2f: {  	[hbm4b:s31+s3] =	stream.linear.scatter [tilespmem:s21], [sflag:$0x3], $0x4000, $0x38;
	[tilespmem:$0x10300] =	vst v63  }
0x30: {  	s0 =	ssub.s32 $0x2, s0;
	_ =	swait.ge [sflag:s30], $0x4000  }
0x31: {  	s2 =	sshrl.u32 s0, $0x1;
	[sflag:s30] =	ssyncset.done $0x0  }
0x32: {  	s0 =	ssub.s32 s0, s2;
	[sflag:s30] =	ssyncadd.s32 $0xFFFFC000  }
0x33: {  	s0 =	smax.u32 s0, $0x1;
	_ =	swait.ge [sflag:s30], $0x4000  }
0x34: {  	p0 =	sne.s32 s0, $0x1;
	[sflag:s30] =	ssyncset.done $0x0  }
.Ltmp0:
0x35: {  	[sflag:s30] =	ssyncadd.s32 $0xFFFFC000;
	(pc) =	sbr.rel @!p0 .LBB2_2-.Ltmp0, $4  }
0x36: {  	_ =	swait.ge [sflag:s30], $0x4000  }
0x37: {  	[sflag:s30] =	ssyncset.done $0x0  }
0x38: {  	[sflag:s30] =	ssyncadd.s32 $0xFFFFC000  }
0x39: {  	s0 =	sadd.s32 $0xFFFFFFFF, s0;
	_ =	swait.ge [sflag:s30], $0x4000  }
.LBB2_1:
0x3a: {  	[sflag:s30] =	ssyncset.done $0x0  }
0x3b: {  	s2 =	rddreg [dreg:$0x6];
	[sflag:s30] =	ssyncadd.s32 $0xFFFFC000  }
0x3c: {  	[spmem:s7], [sflag:s5] =	dma.local [hbm:s2], $0x10  }
0x3d: {  	[spmem:s9], [sflag:s8] =	dma.local [hbm:s1], $0x10  }
0x3e: {  	[tilespmem:s10], [sflag:$0x4] =	stream.linear.gather [hbm4b:s6+s3], $0x200, $0x38;
	[tilespmem:$0x10300] =	vst v63  }
0x3f: {  	_ =	swait.ge [sflag:s11], $0x10  }
0x40: {  	[sflag:s11] =	ssyncset.done $0x0  }
0x41: {  	[sflag:s11] =	ssyncadd.s32 $0xFFFFFFF0  }
0x42: {  	_ =	swait.ge [sflag:s12], $0x10  }
0x43: {  	[sflag:s12] =	ssyncset.done $0x0  }
0x44: {  	[sflag:s12] =	ssyncadd.s32 $0xFFFFFFF0  }
0x45: {  	_ =	swait.ge [sflag:s13], $0x200  }
0x46: {  	[sflag:s13] =	ssyncset.done $0x0  }
0x47: {  	[sflag:s13] =	ssyncadd.s32 $0xFFFFFE00  }
0x48: {  	[tilespmem:s15], [sflag:$0x5] =	stream.indirect.gather [spmem:s4], $0x80, s10, s14, $0xb8;
	[tilespmem:$0x10300] =	vst v63  }
0x49: {  	_ = 	snop  }
0x4a: {  	[tilespmem:s17], [sflag:$0x6] =	stream.indirect.gather [spmem:s4], $0x80, s16, s14, $0xb8;
	[tilespmem:$0x10300] =	vst v63  }
0x4b: {  	_ = 	snop  }
0x4c: {  	[tilespmem:s19], [sflag:$0x7] =	stream.indirect.gather [spmem:s4], $0x80, s18, s14, $0xb8;
	[tilespmem:$0x10300] =	vst v63  }
0x4d: {  	_ = 	snop  }
0x4e: {  	[tilespmem:s21], [sflag:$0x8] =	stream.indirect.gather [spmem:s4], $0x80, s20, s14, $0xb8;
	[tilespmem:$0x10300] =	vst v63  }
0x4f: {  	_ =	swait.ge [sflag:s22], $0x4000  }
0x50: {  	[sflag:s22] =	ssyncset.done $0x0  }
0x51: {  	[sflag:s22] =	ssyncadd.s32 $0xFFFFC000  }
0x52: {  	[hbm4b:s23+s3] =	stream.linear.scatter [tilespmem:s15], [sflag:$0x3], $0x4000, $0x38;
	[tilespmem:$0x10300] =	vst v63  }
0x53: {  	_ =	swait.ge [sflag:s24], $0x4000  }
0x54: {  	[sflag:s24] =	ssyncset.done $0x0  }
0x55: {  	[sflag:s24] =	ssyncadd.s32 $0xFFFFC000  }
0x56: {  	[hbm4b:s25+s3] =	stream.linear.scatter [tilespmem:s17], [sflag:$0x3], $0x4000, $0x38;
	[tilespmem:$0x10300] =	vst v63  }
0x57: {  	_ =	swait.ge [sflag:s26], $0x4000  }
0x58: {  	[sflag:s26] =	ssyncset.done $0x0  }
0x59: {  	[sflag:s26] =	ssyncadd.s32 $0xFFFFC000  }
0x5a: {  	[hbm4b:s28+s3] =	stream.linear.scatter [tilespmem:s19], [sflag:$0x3], $0x4000, $0x38;
	[tilespmem:$0x10300] =	vst v63  }
0x5b: {  	_ =	swait.ge [sflag:s29], $0x4000  }
0x5c: {  	[sflag:s29] =	ssyncset.done $0x0  }
0x5d: {  	[sflag:s29] =	ssyncadd.s32 $0xFFFFC000  }
0x5e: {  	[hbm4b:s31+s3] =	stream.linear.scatter [tilespmem:s21], [sflag:$0x3], $0x4000, $0x38;
	[tilespmem:$0x10300] =	vst v63  }
0x5f: {  	_ =	swait.ge [sflag:s30], $0x4000  }
0x60: {  	[sflag:s30] =	ssyncset.done $0x0  }
0x61: {  	[sflag:s30] =	ssyncadd.s32 $0xFFFFC000  }
0x62: {  	_ =	swait.ge [sflag:s30], $0x4000  }
0x63: {  	p0 =	sne.s32 s0, $0x1;
	[sflag:s30] =	ssyncset.done $0x0  }
.Ltmp1:
0x64: {  	[sflag:s30] =	ssyncadd.s32 $0xFFFFC000;
	(pc) =	sbr.rel @p0 .LBB2_1-.Ltmp1, $4  }
0x65: {  	_ =	swait.ge [sflag:s30], $0x4000  }
0x66: {  	[sflag:s30] =	ssyncset.done $0x0  }
0x67: {  	[sflag:s30] =	ssyncadd.s32 $0xFFFFC000  }
0x68: {  	s0 =	sadd.s32 $0xFFFFFFFF, s0;
	_ =	swait.ge [sflag:s30], $0x4000  }
.LBB2_2:
0x69: {  	[sflag:s30] =	ssyncset.done $0x0  }
0x6a: {  	[sflag:s30] =	ssyncadd.s32 $0xFFFFC000  }
0x6b: {  	_ =	sfence.sel $0x180000  }
0x6c: {  	[bflag:$0x0] =	sbarrier.arrive $0xFFFF  }
0x6d: {  	_ =	strace $0x90000047  }
0x6e: {  	s0 =	stileid.u32;
	[bflag:$0x2] =	sbarrier.arrive $0xFFFF  }
0x6f: {  	p0 =	sne.s32 s0, $0x0;
	s0 =	rddreg [dreg:$0x5]  }
0x70: {  	s0 =	sadd.s32 @!p0 $0x100000, s0  }
0x71: {  	[sflag:s0] =	ssyncadd.tile.s32 @!p0 $0x1;
	_ =	shalt  }
.Lfunc_end2:
_tile_overlayer_lowered:
.L_overlay_start_2:
0x72: {  	(tag) =	ssettag $0x2  }
0x73: {  	s0 =	rddreg [dreg:$0x0];
	s2 =	stileid.u32  }
0x74: {  	s1 =	rddreg [dreg:$0x1];
	p0 =	sne.s32 s2, $0x0  }
0x75: {  	s3 =	rddreg [dreg:$0x2];
	[bflag:$0x3] =	sbarrier.arrive $0xFFFF;
	s2 =	simm.s32 @!p0 $0x1C09  }
0x76: {  	[timem:s3], [sflag:s2] =	dma.local @!p0 [hbm:s0], s1  }
0x77: {  	s0 =	simm.s32 @!p0 $0x9  }
0x78: {  	_ =	swait.ge @!p0 [sflag:s0], s1  }
0x79: {  	s1 =	ssub.s32 @!p0 $0x0, s1;
	[sflag:s0] =	ssyncset.done @!p0 $0x0  }
0x7a: {  	[sflag:s0] =	ssyncadd.s32 @!p0 s1  }
0x7b: {  	[bflag:$0x3] =	sbarrier.arrive $0xFFFF  }
0x7c: {  	_ =	shalt  }

</sc_bundles>
